<compile_context>
chip_gen: v7x
topology: tpu7x:2x2x1
jax: 0.10.2.dev20260603
libtpu: 0.0.44.dev20260713+nightly
codegen_flags: <defaults>
</compile_context>

<pallas_src>
import functools

import jax
import jax.numpy as jnp
from jax import lax
from jax.experimental import pallas as pl
from jax.experimental.pallas import tpu as pltpu
from jax.experimental.pallas import tpu_sc as plsc

_LANES = 16


def _gather_kernel(num_rows, width, npos, seq_len, n_workers, n_chunks):
    b_per_w = num_rows // n_workers
    rows_c = b_per_w // n_chunks
    assert rows_c % 8 == 0
    mesh = plsc.VectorSubcoreMesh(core_axis_name="c", subcore_axis_name="s")

    @functools.partial(
        pl.kernel,
        mesh=mesh,
        out_type=jax.ShapeDtypeStruct((num_rows, width), jnp.float32),
        scratch_types=[
            pltpu.VMEM((b_per_w,), jnp.int32),
            pltpu.VMEM((b_per_w, width), jnp.float32),
        ]
        + [pltpu.SemaphoreType.DMA] * (n_chunks + 1),
    )
    def k(table_hbm, idx_hbm, out_hbm, idx_v, rows_v, *sems):
        gsems, wsem = sems[:n_chunks], sems[n_chunks]
        wid = lax.axis_index("s") * 2 + lax.axis_index("c")
        base = wid * b_per_w
        pltpu.sync_copy(idx_hbm.at[pl.ds(base, b_per_w)], idx_v)
        off = (base // npos) * seq_len
        for i in range(b_per_w // _LANES):
            sl = pl.ds(i * _LANES, _LANES)
            idx_v[sl] = idx_v[sl] + off
        gh = [
            pltpu.async_copy(
                table_hbm.at[idx_v.at[pl.ds(c * rows_c, rows_c)]],
                rows_v.at[pl.ds(c * rows_c, rows_c)],
                gsems[c],
            )
            for c in range(n_chunks)
        ]
        wh = []
        for c in range(n_chunks):
            gh[c].wait()
            wh.append(
                pltpu.async_copy(
                    rows_v.at[pl.ds(c * rows_c, rows_c)],
                    out_hbm.at[pl.ds(base + c * rows_c, rows_c)],
                    wsem,
                )
            )
        for h in wh:
            h.wait()

    return k


def kernel(sequence_tensor, positions):
    batch, seq_len, width = sequence_tensor.shape
    nb, npos = positions.shape
    num_rows = nb * npos
    table = sequence_tensor.reshape(batch * seq_len, width)
    idx = positions.reshape(num_rows).astype(jnp.int32)
    n_workers = 32
    assert num_rows % n_workers == 0
    assert npos % (num_rows // n_workers) == 0
    k = _gather_kernel(num_rows, width, npos, seq_len, n_workers, n_chunks=5)
    return k(table, idx)

# --- scband reference (transcript-rebuilt; emitter-appended) ---
"""Pipeline reference for scband-gather-indexes-29386166239866 (READ-ONLY COPY).

The authoritative reference and input builder live on the scoring server;
editing this copy changes nothing except your own understanding.
"""

import jax, jax.numpy as jnp
import numpy as np

def setup_inputs(seed: int = 0) -> dict:
    key = jax.random.key(seed)
    k1, k2 = jax.random.split(key)
    sequence_tensor = jax.random.normal(k1, (4, 4096, 1024), dtype=jnp.float32)
    positions = jax.random.randint(k2, (4, 640), 0, 4096, dtype=jnp.int64 if jax.config.jax_enable_x64 else jnp.int32)
    return {"sequence_tensor": sequence_tensor, "positions": positions}

def reference(sequence_tensor, positions):
    batch_size, seq_length, width = sequence_tensor.shape
    flat_offsets = jnp.reshape(jnp.arange(batch_size) * seq_length, [-1, 1])
    flat_positions = jnp.reshape(positions + flat_offsets, [-1])
    flat_sequence_tensor = jnp.reshape(sequence_tensor, [batch_size * seq_length, width])
    output_tensor = jnp.take(flat_sequence_tensor, flat_positions, axis=0)
    return output_tensor

if __name__ == "__main__":
    import jax
    _d = setup_inputs()
    print(jax.jit(kernel)(*tuple(_d.values())))

</pallas_src>

<mosaic_0001>
#map = affine_map<(d0, d1) -> (0, 0)>
#map1 = affine_map<(d0, d1) -> (0)>
module attributes {stable_mosaic.version = 14 : i64} {
  func.func @k(%arg0: i32, %arg1: i32, %arg2: memref<16384x1024xf32, #tpu.memory_space<hbm>>, %arg3: memref<2560xi32, #tpu.memory_space<hbm>>, %arg4: memref<2560x1024xf32, #tpu.memory_space<hbm>>, %arg5: memref<80xi32, #tpu.memory_space<vmem>>, %arg6: memref<80x1024xf32, #tpu.memory_space<vmem>>, %arg7: memref<!tpu.dma_semaphore, #tpu.memory_space<semaphore_mem>>, %arg8: memref<!tpu.dma_semaphore, #tpu.memory_space<semaphore_mem>>, %arg9: memref<!tpu.dma_semaphore, #tpu.memory_space<semaphore_mem>>, %arg10: memref<!tpu.dma_semaphore, #tpu.memory_space<semaphore_mem>>, %arg11: memref<!tpu.dma_semaphore, #tpu.memory_space<semaphore_mem>>, %arg12: memref<!tpu.dma_semaphore, #tpu.memory_space<semaphore_mem>>) attributes {dimension_semantics = [#tpu.dimension_semantics<core_parallel>, #tpu.dimension_semantics<subcore_parallel>], iteration_bounds = array<i64: 2, 16>, scalar_prefetch = 0 : i64, scratch_operands = 8 : i64, tpu.core_type = #tpu.core_type<sc_vector_subcore>, window_params = [{transform_indices = #map}, {transform_indices = #map1}, {transform_indices = #map}]} {
    %mul3A = arith.constant 2 : i32
    %mul3A_0 = arith.muli %arg1, %mul3A : i32
    %add3A = arith.addi %mul3A_0, %arg0 : i32
    %mul3A_1 = arith.constant 80 : i32
    %mul3A_2 = arith.muli %add3A, %mul3A_1 : i32
    "tpu.region"() ({
      %run_scoped3A = tpu.sem_alloc : memref<!tpu.dma_semaphore, #tpu.memory_space<semaphore_mem>>
      %dma_start3A_252 = tpu.memref_slice %arg3[%mul3A_2] : memref<2560xi32, #tpu.memory_space<hbm>> -> memref<80xi32, #tpu.memory_space<hbm>>
      %dma_start3A_253 = tpu.memref_slice %arg3[%mul3A_2] : memref<2560xi32, #tpu.memory_space<hbm>> -> memref<80xi32, #tpu.memory_space<hbm>>
      tpu.enqueue_dma source(%dma_start3A_253 : memref<80xi32, #tpu.memory_space<hbm>>) target(%arg5 : memref<80xi32, #tpu.memory_space<vmem>>) target_semaphore(%run_scoped3A : memref<!tpu.dma_semaphore, #tpu.memory_space<semaphore_mem>>)
      %dma_wait3A_254 = tpu.memref_slice %arg3[%mul3A_2] : memref<2560xi32, #tpu.memory_space<hbm>> -> memref<80xi32, #tpu.memory_space<hbm>>
      %dma_wait3A_255 = tpu.memref_slice %arg3[%mul3A_2] : memref<2560xi32, #tpu.memory_space<hbm>> -> memref<80xi32, #tpu.memory_space<hbm>>
      tpu.wait_dma2 semaphore(%run_scoped3A : memref<!tpu.dma_semaphore, #tpu.memory_space<semaphore_mem>>) src(%dma_wait3A_255 : memref<80xi32, #tpu.memory_space<hbm>>) dst(%arg5 : memref<80xi32, #tpu.memory_space<vmem>>)
      tpu.yield
    }) : () -> ()
    %jit3A = arith.constant 640 : i32
    %div3A = arith.divsi %mul3A_2, %jit3A : i32
    %sign3A = arith.constant 0 : i32
    %sign3A_3 = arith.cmpi sgt, %mul3A_2, %sign3A : i32
    %sign3A_4 = arith.extui %sign3A_3 : i1 to i32
    %sign3A_5 = arith.constant 0 : i32
    %sign3A_6 = arith.cmpi slt, %mul3A_2, %sign3A_5 : i32
    %sign3A_7 = arith.extui %sign3A_6 : i1 to i32
    %sign3A_8 = arith.subi %sign3A_4, %sign3A_7 : i32
    %sign3A_9 = arith.constant 0 : i32
    %sign3A_10 = arith.cmpi sgt, %jit3A, %sign3A_9 : i32
    %sign3A_11 = arith.extui %sign3A_10 : i1 to i32
    %sign3A_12 = arith.constant 0 : i32
    %sign3A_13 = arith.cmpi slt, %jit3A, %sign3A_12 : i32
    %sign3A_14 = arith.extui %sign3A_13 : i1 to i32
    %sign3A_15 = arith.subi %sign3A_11, %sign3A_14 : i32
    %ne3A = arith.cmpi ne, %sign3A_8, %sign3A_15 : i32
    %rem3A = arith.remsi %mul3A_2, %jit3A : i32
    %ne3A_16 = arith.constant 0 : i32
    %ne3A_17 = arith.cmpi ne, %rem3A, %ne3A_16 : i32
    %and3A = arith.andi %ne3A, %ne3A_17 : i1
    %sub3A = arith.constant 1 : i32
    %sub3A_18 = arith.subi %div3A, %sub3A : i32
    %select_n3A = arith.select %and3A, %sub3A_18, %div3A : i32
    %mul3A_19 = arith.constant 4096 : i32
    %mul3A_20 = arith.muli %select_n3A, %mul3A_19 : i32
    %get3A = arith.constant 0 : index
    %get3A_21 = tpu.vector_load %arg5[%get3A] {strides = array<i32>} : memref<80xi32, #tpu.memory_space<vmem>>, vector<16xi32>,
    %get3A_22 = vector.shape_cast %get3A_21 : vector<16xi32> to vector<16xi32>
    %add3A_23 = vector.broadcast %mul3A_20 : i32 to vector<16xi32>
    %add3A_24 = arith.addi %get3A_22, %add3A_23 : vector<16xi32>
    %swap3A = arith.constant 0 : index
    %swap3A_25 = tpu.vector_load %arg5[%swap3A] {strides = array<i32>} : memref<80xi32, #tpu.memory_space<vmem>>, vector<16xi32>,
    %swap3A_26 = vector.shape_cast %swap3A_25 : vector<16xi32> to vector<16xi32>
    %swap3A_27 = vector.shape_cast %add3A_24 : vector<16xi32> to vector<16xi32>
    tpu.vector_store %arg5[%swap3A], %swap3A_27 {strides = array<i32>} : memref<80xi32, #tpu.memory_space<vmem>>, vector<16xi32>,
    %get3A_28 = arith.constant 16 : index
    %get3A_29 = tpu.vector_load %arg5[%get3A_28] {strides = array<i32>} : memref<80xi32, #tpu.memory_space<vmem>>, vector<16xi32>,
    %get3A_30 = vector.shape_cast %get3A_29 : vector<16xi32> to vector<16xi32>
    %add3A_31 = vector.broadcast %mul3A_20 : i32 to vector<16xi32>
    %add3A_32 = arith.addi %get3A_30, %add3A_31 : vector<16xi32>
    %swap3A_33 = arith.constant 16 : index
    %swap3A_34 = tpu.vector_load %arg5[%swap3A_33] {strides = array<i32>} : memref<80xi32, #tpu.memory_space<vmem>>, vector<16xi32>,
    %swap3A_35 = vector.shape_cast %swap3A_34 : vector<16xi32> to vector<16xi32>
    %swap3A_36 = vector.shape_cast %add3A_32 : vector<16xi32> to vector<16xi32>
    tpu.vector_store %arg5[%swap3A_33], %swap3A_36 {strides = array<i32>} : memref<80xi32, #tpu.memory_space<vmem>>, vector<16xi32>,
    %get3A_37 = arith.constant 32 : index
    %get3A_38 = tpu.vector_load %arg5[%get3A_37] {strides = array<i32>} : memref<80xi32, #tpu.memory_space<vmem>>, vector<16xi32>,
    %get3A_39 = vector.shape_cast %get3A_38 : vector<16xi32> to vector<16xi32>
    %add3A_40 = vector.broadcast %mul3A_20 : i32 to vector<16xi32>
    %add3A_41 = arith.addi %get3A_39, %add3A_40 : vector<16xi32>
    %swap3A_42 = arith.constant 32 : index
    %swap3A_43 = tpu.vector_load %arg5[%swap3A_42] {strides = array<i32>} : memref<80xi32, #tpu.memory_space<vmem>>, vector<16xi32>,
    %swap3A_44 = vector.shape_cast %swap3A_43 : vector<16xi32> to vector<16xi32>
    %swap3A_45 = vector.shape_cast %add3A_41 : vector<16xi32> to vector<16xi32>
    tpu.vector_store %arg5[%swap3A_42], %swap3A_45 {strides = array<i32>} : memref<80xi32, #tpu.memory_space<vmem>>, vector<16xi32>,
    %get3A_46 = arith.constant 48 : index
    %get3A_47 = tpu.vector_load %arg5[%get3A_46] {strides = array<i32>} : memref<80xi32, #tpu.memory_space<vmem>>, vector<16xi32>,
    %get3A_48 = vector.shape_cast %get3A_47 : vector<16xi32> to vector<16xi32>
    %add3A_49 = vector.broadcast %mul3A_20 : i32 to vector<16xi32>
    %add3A_50 = arith.addi %get3A_48, %add3A_49 : vector<16xi32>
    %swap3A_51 = arith.constant 48 : index
    %swap3A_52 = tpu.vector_load %arg5[%swap3A_51] {strides = array<i32>} : memref<80xi32, #tpu.memory_space<vmem>>, vector<16xi32>,
    %swap3A_53 = vector.shape_cast %swap3A_52 : vector<16xi32> to vector<16xi32>
    %swap3A_54 = vector.shape_cast %add3A_50 : vector<16xi32> to vector<16xi32>
    tpu.vector_store %arg5[%swap3A_51], %swap3A_54 {strides = array<i32>} : memref<80xi32, #tpu.memory_space<vmem>>, vector<16xi32>,
    %get3A_55 = arith.constant 64 : index
    %get3A_56 = tpu.vector_load %arg5[%get3A_55] {strides = array<i32>} : memref<80xi32, #tpu.memory_space<vmem>>, vector<16xi32>,
    %get3A_57 = vector.shape_cast %get3A_56 : vector<16xi32> to vector<16xi32>
    %add3A_58 = vector.broadcast %mul3A_20 : i32 to vector<16xi32>
    %add3A_59 = arith.addi %get3A_57, %add3A_58 : vector<16xi32>
    %swap3A_60 = arith.constant 64 : index
    %swap3A_61 = tpu.vector_load %arg5[%swap3A_60] {strides = array<i32>} : memref<80xi32, #tpu.memory_space<vmem>>, vector<16xi32>,
    %swap3A_62 = vector.shape_cast %swap3A_61 : vector<16xi32> to vector<16xi32>
    %swap3A_63 = vector.shape_cast %add3A_59 : vector<16xi32> to vector<16xi32>
    tpu.vector_store %arg5[%swap3A_60], %swap3A_63 {strides = array<i32>} : memref<80xi32, #tpu.memory_space<vmem>>, vector<16xi32>,
    %dma_start3A = arith.constant 0 : i32
    %dma_start3A_64 = arith.constant 0 : i32
    %dma_start3A_65 = tpu.memref_slice %arg6[%dma_start3A, %dma_start3A_64] : memref<80x1024xf32, #tpu.memory_space<vmem>> -> memref<16x1024xf32, #tpu.memory_space<vmem>>
    %dma_start3A_66 = arith.constant 0 : i32
    %dma_start3A_67 = tpu.memref_slice %arg5[%dma_start3A_66] : memref<80xi32, #tpu.memory_space<vmem>> -> memref<16xi32, #tpu.memory_space<vmem>>
    %dma_start3A_68 = arith.constant 0 : i32
    %dma_start3A_69 = arith.constant 0 : i32
    %dma_start3A_70 = tpu.memref_slice %arg2[%dma_start3A_68, %dma_start3A_69] : memref<16384x1024xf32, #tpu.memory_space<hbm>> -> memref<16384x1024xf32, #tpu.memory_space<hbm>>
    tpu.enqueue_indirect_dma source(%dma_start3A_70 : memref<16384x1024xf32, #tpu.memory_space<hbm>>) target(%dma_start3A_65 : memref<16x1024xf32, #tpu.memory_space<vmem>>) offsets(%dma_start3A_67 : memref<16xi32, #tpu.memory_space<vmem>>) semaphore(%arg7 : memref<!tpu.dma_semaphore, #tpu.memory_space<semaphore_mem>>)
    %dma_start3A_71 = arith.constant 16 : i32
    %dma_start3A_72 = arith.constant 0 : i32
    %dma_start3A_73 = tpu.memref_slice %arg6[%dma_start3A_71, %dma_start3A_72] : memref<80x1024xf32, #tpu.memory_space<vmem>> -> memref<16x1024xf32, #tpu.memory_space<vmem>>
    %dma_start3A_74 = arith.constant 16 : i32
    %dma_start3A_75 = tpu.memref_slice %arg5[%dma_start3A_74] : memref<80xi32, #tpu.memory_space<vmem>> -> memref<16xi32, #tpu.memory_space<vmem>>
    %dma_start3A_76 = arith.constant 0 : i32
    %dma_start3A_77 = arith.constant 0 : i32
    %dma_start3A_78 = tpu.memref_slice %arg2[%dma_start3A_76, %dma_start3A_77] : memref<16384x1024xf32, #tpu.memory_space<hbm>> -> memref<16384x1024xf32, #tpu.memory_space<hbm>>
    tpu.enqueue_indirect_dma source(%dma_start3A_78 : memref<16384x1024xf32, #tpu.memory_space<hbm>>) target(%dma_start3A_73 : memref<16x1024xf32, #tpu.memory_space<vmem>>) offsets(%dma_start3A_75 : memref<16xi32, #tpu.memory_space<vmem>>) semaphore(%arg8 : memref<!tpu.dma_semaphore, #tpu.memory_space<semaphore_mem>>)
    %dma_start3A_79 = arith.constant 32 : i32
    %dma_start3A_80 = arith.constant 0 : i32
    %dma_start3A_81 = tpu.memref_slice %arg6[%dma_start3A_79, %dma_start3A_80] : memref<80x1024xf32, #tpu.memory_space<vmem>> -> memref<16x1024xf32, #tpu.memory_space<vmem>>
    %dma_start3A_82 = arith.constant 32 : i32
    %dma_start3A_83 = tpu.memref_slice %arg5[%dma_start3A_82] : memref<80xi32, #tpu.memory_space<vmem>> -> memref<16xi32, #tpu.memory_space<vmem>>
    %dma_start3A_84 = arith.constant 0 : i32
    %dma_start3A_85 = arith.constant 0 : i32
    %dma_start3A_86 = tpu.memref_slice %arg2[%dma_start3A_84, %dma_start3A_85] : memref<16384x1024xf32, #tpu.memory_space<hbm>> -> memref<16384x1024xf32, #tpu.memory_space<hbm>>
    tpu.enqueue_indirect_dma source(%dma_start3A_86 : memref<16384x1024xf32, #tpu.memory_space<hbm>>) target(%dma_start3A_81 : memref<16x1024xf32, #tpu.memory_space<vmem>>) offsets(%dma_start3A_83 : memref<16xi32, #tpu.memory_space<vmem>>) semaphore(%arg9 : memref<!tpu.dma_semaphore, #tpu.memory_space<semaphore_mem>>)
    %dma_start3A_87 = arith.constant 48 : i32
    %dma_start3A_88 = arith.constant 0 : i32
    %dma_start3A_89 = tpu.memref_slice %arg6[%dma_start3A_87, %dma_start3A_88] : memref<80x1024xf32, #tpu.memory_space<vmem>> -> memref<16x1024xf32, #tpu.memory_space<vmem>>
    %dma_start3A_90 = arith.constant 48 : i32
    %dma_start3A_91 = tpu.memref_slice %arg5[%dma_start3A_90] : memref<80xi32, #tpu.memory_space<vmem>> -> memref<16xi32, #tpu.memory_space<vmem>>
    %dma_start3A_92 = arith.constant 0 : i32
    %dma_start3A_93 = arith.constant 0 : i32
    %dma_start3A_94 = tpu.memref_slice %arg2[%dma_start3A_92, %dma_start3A_93] : memref<16384x1024xf32, #tpu.memory_space<hbm>> -> memref<16384x1024xf32, #tpu.memory_space<hbm>>
    tpu.enqueue_indirect_dma source(%dma_start3A_94 : memref<16384x1024xf32, #tpu.memory_space<hbm>>) target(%dma_start3A_89 : memref<16x1024xf32, #tpu.memory_space<vmem>>) offsets(%dma_start3A_91 : memref<16xi32, #tpu.memory_space<vmem>>) semaphore(%arg10 : memref<!tpu.dma_semaphore, #tpu.memory_space<semaphore_mem>>)
    %dma_start3A_95 = arith.constant 64 : i32
    %dma_start3A_96 = arith.constant 0 : i32
    %dma_start3A_97 = tpu.memref_slice %arg6[%dma_start3A_95, %dma_start3A_96] : memref<80x1024xf32, #tpu.memory_space<vmem>> -> memref<16x1024xf32, #tpu.memory_space<vmem>>
    %dma_start3A_98 = arith.constant 64 : i32
    %dma_start3A_99 = tpu.memref_slice %arg5[%dma_start3A_98] : memref<80xi32, #tpu.memory_space<vmem>> -> memref<16xi32, #tpu.memory_space<vmem>>
    %dma_start3A_100 = arith.constant 0 : i32
    %dma_start3A_101 = arith.constant 0 : i32
    %dma_start3A_102 = tpu.memref_slice %arg2[%dma_start3A_100, %dma_start3A_101] : memref<16384x1024xf32, #tpu.memory_space<hbm>> -> memref<16384x1024xf32, #tpu.memory_space<hbm>>
    tpu.enqueue_indirect_dma source(%dma_start3A_102 : memref<16384x1024xf32, #tpu.memory_space<hbm>>) target(%dma_start3A_97 : memref<16x1024xf32, #tpu.memory_space<vmem>>) offsets(%dma_start3A_99 : memref<16xi32, #tpu.memory_space<vmem>>) semaphore(%arg11 : memref<!tpu.dma_semaphore, #tpu.memory_space<semaphore_mem>>)
    %dma_wait3A = arith.constant 0 : i32
    %dma_wait3A_103 = arith.constant 0 : i32
    %dma_wait3A_104 = tpu.memref_slice %arg6[%dma_wait3A, %dma_wait3A_103] : memref<80x1024xf32, #tpu.memory_space<vmem>> -> memref<16x1024xf32, #tpu.memory_space<vmem>>
    %dma_wait3A_105 = arith.constant 0 : i32
    %dma_wait3A_106 = tpu.memref_slice %arg5[%dma_wait3A_105] : memref<80xi32, #tpu.memory_space<vmem>> -> memref<16xi32, #tpu.memory_space<vmem>>
    %dma_wait3A_107 = arith.constant 0 : i32
    %dma_wait3A_108 = arith.constant 0 : i32
    %dma_wait3A_109 = tpu.memref_slice %arg2[%dma_wait3A_107, %dma_wait3A_108] : memref<16384x1024xf32, #tpu.memory_space<hbm>> -> memref<16384x1024xf32, #tpu.memory_space<hbm>>
    tpu.wait_indirect_dma semaphore(%arg7 : memref<!tpu.dma_semaphore, #tpu.memory_space<semaphore_mem>>) src(%dma_wait3A_109 : memref<16384x1024xf32, #tpu.memory_space<hbm>>) dst(%dma_wait3A_104 : memref<16x1024xf32, #tpu.memory_space<vmem>>)
    %add3A_110 = arith.constant 0 : i32
    %add3A_111 = arith.addi %mul3A_2, %add3A_110 : i32
    %dma_start3A_112 = arith.constant 0 : i32
    %dma_start3A_113 = arith.constant 0 : i32
    %dma_start3A_114 = tpu.memref_slice %arg6[%dma_start3A_112, %dma_start3A_113] : memref<80x1024xf32, #tpu.memory_space<vmem>> -> memref<16x1024xf32, #tpu.memory_space<vmem>>
    %dma_start3A_115 = arith.constant 0 : i32
    %dma_start3A_116 = tpu.memref_slice %arg4[%add3A_111, %dma_start3A_115] : memref<2560x1024xf32, #tpu.memory_space<hbm>> -> memref<16x1024xf32, #tpu.memory_space<hbm>>
    %dma_start3A_117 = arith.constant 0 : i32
    %dma_start3A_118 = tpu.memref_slice %arg4[%add3A_111, %dma_start3A_117] : memref<2560x1024xf32, #tpu.memory_space<hbm>> -> memref<16x1024xf32, #tpu.memory_space<hbm>>
    %dma_start3A_119 = arith.constant 0 : i32
    %dma_start3A_120 = arith.constant 0 : i32
    %dma_start3A_121 = tpu.memref_slice %arg6[%dma_start3A_119, %dma_start3A_120] : memref<80x1024xf32, #tpu.memory_space<vmem>> -> memref<16x1024xf32, #tpu.memory_space<vmem>>
    tpu.enqueue_dma source(%dma_start3A_121 : memref<16x1024xf32, #tpu.memory_space<vmem>>) target(%dma_start3A_118 : memref<16x1024xf32, #tpu.memory_space<hbm>>) target_semaphore(%arg12 : memref<!tpu.dma_semaphore, #tpu.memory_space<semaphore_mem>>)
    %dma_wait3A_122 = arith.constant 16 : i32
    %dma_wait3A_123 = arith.constant 0 : i32
    %dma_wait3A_124 = tpu.memref_slice %arg6[%dma_wait3A_122, %dma_wait3A_123] : memref<80x1024xf32, #tpu.memory_space<vmem>> -> memref<16x1024xf32, #tpu.memory_space<vmem>>
    %dma_wait3A_125 = arith.constant 16 : i32
    %dma_wait3A_126 = tpu.memref_slice %arg5[%dma_wait3A_125] : memref<80xi32, #tpu.memory_space<vmem>> -> memref<16xi32, #tpu.memory_space<vmem>>
    %dma_wait3A_127 = arith.constant 0 : i32
    %dma_wait3A_128 = arith.constant 0 : i32
    %dma_wait3A_129 = tpu.memref_slice %arg2[%dma_wait3A_127, %dma_wait3A_128] : memref<16384x1024xf32, #tpu.memory_space<hbm>> -> memref<16384x1024xf32, #tpu.memory_space<hbm>>
    tpu.wait_indirect_dma semaphore(%arg8 : memref<!tpu.dma_semaphore, #tpu.memory_space<semaphore_mem>>) src(%dma_wait3A_129 : memref<16384x1024xf32, #tpu.memory_space<hbm>>) dst(%dma_wait3A_124 : memref<16x1024xf32, #tpu.memory_space<vmem>>)
    %add3A_130 = arith.constant 16 : i32
    %add3A_131 = arith.addi %mul3A_2, %add3A_130 : i32
    %dma_start3A_132 = arith.constant 16 : i32
    %dma_start3A_133 = arith.constant 0 : i32
    %dma_start3A_134 = tpu.memref_slice %arg6[%dma_start3A_132, %dma_start3A_133] : memref<80x1024xf32, #tpu.memory_space<vmem>> -> memref<16x1024xf32, #tpu.memory_space<vmem>>
    %dma_start3A_135 = arith.constant 0 : i32
    %dma_start3A_136 = tpu.memref_slice %arg4[%add3A_131, %dma_start3A_135] : memref<2560x1024xf32, #tpu.memory_space<hbm>> -> memref<16x1024xf32, #tpu.memory_space<hbm>>
    %dma_start3A_137 = arith.constant 0 : i32
    %dma_start3A_138 = tpu.memref_slice %arg4[%add3A_131, %dma_start3A_137] : memref<2560x1024xf32, #tpu.memory_space<hbm>> -> memref<16x1024xf32, #tpu.memory_space<hbm>>
    %dma_start3A_139 = arith.constant 16 : i32
    %dma_start3A_140 = arith.constant 0 : i32
    %dma_start3A_141 = tpu.memref_slice %arg6[%dma_start3A_139, %dma_start3A_140] : memref<80x1024xf32, #tpu.memory_space<vmem>> -> memref<16x1024xf32, #tpu.memory_space<vmem>>
    tpu.enqueue_dma source(%dma_start3A_141 : memref<16x1024xf32, #tpu.memory_space<vmem>>) target(%dma_start3A_138 : memref<16x1024xf32, #tpu.memory_space<hbm>>) target_semaphore(%arg12 : memref<!tpu.dma_semaphore, #tpu.memory_space<semaphore_mem>>)
    %dma_wait3A_142 = arith.constant 32 : i32
    %dma_wait3A_143 = arith.constant 0 : i32
    %dma_wait3A_144 = tpu.memref_slice %arg6[%dma_wait3A_142, %dma_wait3A_143] : memref<80x1024xf32, #tpu.memory_space<vmem>> -> memref<16x1024xf32, #tpu.memory_space<vmem>>
    %dma_wait3A_145 = arith.constant 32 : i32
    %dma_wait3A_146 = tpu.memref_slice %arg5[%dma_wait3A_145] : memref<80xi32, #tpu.memory_space<vmem>> -> memref<16xi32, #tpu.memory_space<vmem>>
    %dma_wait3A_147 = arith.constant 0 : i32
    %dma_wait3A_148 = arith.constant 0 : i32
    %dma_wait3A_149 = tpu.memref_slice %arg2[%dma_wait3A_147, %dma_wait3A_148] : memref<16384x1024xf32, #tpu.memory_space<hbm>> -> memref<16384x1024xf32, #tpu.memory_space<hbm>>
    tpu.wait_indirect_dma semaphore(%arg9 : memref<!tpu.dma_semaphore, #tpu.memory_space<semaphore_mem>>) src(%dma_wait3A_149 : memref<16384x1024xf32, #tpu.memory_space<hbm>>) dst(%dma_wait3A_144 : memref<16x1024xf32, #tpu.memory_space<vmem>>)
    %add3A_150 = arith.constant 32 : i32
    %add3A_151 = arith.addi %mul3A_2, %add3A_150 : i32
    %dma_start3A_152 = arith.constant 32 : i32
    %dma_start3A_153 = arith.constant 0 : i32
    %dma_start3A_154 = tpu.memref_slice %arg6[%dma_start3A_152, %dma_start3A_153] : memref<80x1024xf32, #tpu.memory_space<vmem>> -> memref<16x1024xf32, #tpu.memory_space<vmem>>
    %dma_start3A_155 = arith.constant 0 : i32
    %dma_start3A_156 = tpu.memref_slice %arg4[%add3A_151, %dma_start3A_155] : memref<2560x1024xf32, #tpu.memory_space<hbm>> -> memref<16x1024xf32, #tpu.memory_space<hbm>>
    %dma_start3A_157 = arith.constant 0 : i32
    %dma_start3A_158 = tpu.memref_slice %arg4[%add3A_151, %dma_start3A_157] : memref<2560x1024xf32, #tpu.memory_space<hbm>> -> memref<16x1024xf32, #tpu.memory_space<hbm>>
    %dma_start3A_159 = arith.constant 32 : i32
    %dma_start3A_160 = arith.constant 0 : i32
    %dma_start3A_161 = tpu.memref_slice %arg6[%dma_start3A_159, %dma_start3A_160] : memref<80x1024xf32, #tpu.memory_space<vmem>> -> memref<16x1024xf32, #tpu.memory_space<vmem>>
    tpu.enqueue_dma source(%dma_start3A_161 : memref<16x1024xf32, #tpu.memory_space<vmem>>) target(%dma_start3A_158 : memref<16x1024xf32, #tpu.memory_space<hbm>>) target_semaphore(%arg12 : memref<!tpu.dma_semaphore, #tpu.memory_space<semaphore_mem>>)
    %dma_wait3A_162 = arith.constant 48 : i32
    %dma_wait3A_163 = arith.constant 0 : i32
    %dma_wait3A_164 = tpu.memref_slice %arg6[%dma_wait3A_162, %dma_wait3A_163] : memref<80x1024xf32, #tpu.memory_space<vmem>> -> memref<16x1024xf32, #tpu.memory_space<vmem>>
    %dma_wait3A_165 = arith.constant 48 : i32
    %dma_wait3A_166 = tpu.memref_slice %arg5[%dma_wait3A_165] : memref<80xi32, #tpu.memory_space<vmem>> -> memref<16xi32, #tpu.memory_space<vmem>>
    %dma_wait3A_167 = arith.constant 0 : i32
    %dma_wait3A_168 = arith.constant 0 : i32
    %dma_wait3A_169 = tpu.memref_slice %arg2[%dma_wait3A_167, %dma_wait3A_168] : memref<16384x1024xf32, #tpu.memory_space<hbm>> -> memref<16384x1024xf32, #tpu.memory_space<hbm>>
    tpu.wait_indirect_dma semaphore(%arg10 : memref<!tpu.dma_semaphore, #tpu.memory_space<semaphore_mem>>) src(%dma_wait3A_169 : memref<16384x1024xf32, #tpu.memory_space<hbm>>) dst(%dma_wait3A_164 : memref<16x1024xf32, #tpu.memory_space<vmem>>)
    %add3A_170 = arith.constant 48 : i32
    %add3A_171 = arith.addi %mul3A_2, %add3A_170 : i32
    %dma_start3A_172 = arith.constant 48 : i32
    %dma_start3A_173 = arith.constant 0 : i32
    %dma_start3A_174 = tpu.memref_slice %arg6[%dma_start3A_172, %dma_start3A_173] : memref<80x1024xf32, #tpu.memory_space<vmem>> -> memref<16x1024xf32, #tpu.memory_space<vmem>>
    %dma_start3A_175 = arith.constant 0 : i32
    %dma_start3A_176 = tpu.memref_slice %arg4[%add3A_171, %dma_start3A_175] : memref<2560x1024xf32, #tpu.memory_space<hbm>> -> memref<16x1024xf32, #tpu.memory_space<hbm>>
    %dma_start3A_177 = arith.constant 0 : i32
    %dma_start3A_178 = tpu.memref_slice %arg4[%add3A_171, %dma_start3A_177] : memref<2560x1024xf32, #tpu.memory_space<hbm>> -> memref<16x1024xf32, #tpu.memory_space<hbm>>
    %dma_start3A_179 = arith.constant 48 : i32
    %dma_start3A_180 = arith.constant 0 : i32
    %dma_start3A_181 = tpu.memref_slice %arg6[%dma_start3A_179, %dma_start3A_180] : memref<80x1024xf32, #tpu.memory_space<vmem>> -> memref<16x1024xf32, #tpu.memory_space<vmem>>
    tpu.enqueue_dma source(%dma_start3A_181 : memref<16x1024xf32, #tpu.memory_space<vmem>>) target(%dma_start3A_178 : memref<16x1024xf32, #tpu.memory_space<hbm>>) target_semaphore(%arg12 : memref<!tpu.dma_semaphore, #tpu.memory_space<semaphore_mem>>)
    %dma_wait3A_182 = arith.constant 64 : i32
    %dma_wait3A_183 = arith.constant 0 : i32
    %dma_wait3A_184 = tpu.memref_slice %arg6[%dma_wait3A_182, %dma_wait3A_183] : memref<80x1024xf32, #tpu.memory_space<vmem>> -> memref<16x1024xf32, #tpu.memory_space<vmem>>
    %dma_wait3A_185 = arith.constant 64 : i32
    %dma_wait3A_186 = tpu.memref_slice %arg5[%dma_wait3A_185] : memref<80xi32, #tpu.memory_space<vmem>> -> memref<16xi32, #tpu.memory_space<vmem>>
    %dma_wait3A_187 = arith.constant 0 : i32
    %dma_wait3A_188 = arith.constant 0 : i32
    %dma_wait3A_189 = tpu.memref_slice %arg2[%dma_wait3A_187, %dma_wait3A_188] : memref<16384x1024xf32, #tpu.memory_space<hbm>> -> memref<16384x1024xf32, #tpu.memory_space<hbm>>
    tpu.wait_indirect_dma semaphore(%arg11 : memref<!tpu.dma_semaphore, #tpu.memory_space<semaphore_mem>>) src(%dma_wait3A_189 : memref<16384x1024xf32, #tpu.memory_space<hbm>>) dst(%dma_wait3A_184 : memref<16x1024xf32, #tpu.memory_space<vmem>>)
    %add3A_190 = arith.constant 64 : i32
    %add3A_191 = arith.addi %mul3A_2, %add3A_190 : i32
    %dma_start3A_192 = arith.constant 64 : i32
    %dma_start3A_193 = arith.constant 0 : i32
    %dma_start3A_194 = tpu.memref_slice %arg6[%dma_start3A_192, %dma_start3A_193] : memref<80x1024xf32, #tpu.memory_space<vmem>> -> memref<16x1024xf32, #tpu.memory_space<vmem>>
    %dma_start3A_195 = arith.constant 0 : i32
    %dma_start3A_196 = tpu.memref_slice %arg4[%add3A_191, %dma_start3A_195] : memref<2560x1024xf32, #tpu.memory_space<hbm>> -> memref<16x1024xf32, #tpu.memory_space<hbm>>
    %dma_start3A_197 = arith.constant 0 : i32
    %dma_start3A_198 = tpu.memref_slice %arg4[%add3A_191, %dma_start3A_197] : memref<2560x1024xf32, #tpu.memory_space<hbm>> -> memref<16x1024xf32, #tpu.memory_space<hbm>>
    %dma_start3A_199 = arith.constant 64 : i32
    %dma_start3A_200 = arith.constant 0 : i32
    %dma_start3A_201 = tpu.memref_slice %arg6[%dma_start3A_199, %dma_start3A_200] : memref<80x1024xf32, #tpu.memory_space<vmem>> -> memref<16x1024xf32, #tpu.memory_space<vmem>>
    tpu.enqueue_dma source(%dma_start3A_201 : memref<16x1024xf32, #tpu.memory_space<vmem>>) target(%dma_start3A_198 : memref<16x1024xf32, #tpu.memory_space<hbm>>) target_semaphore(%arg12 : memref<!tpu.dma_semaphore, #tpu.memory_space<semaphore_mem>>)
    %dma_wait3A_202 = arith.constant 0 : i32
    %dma_wait3A_203 = arith.constant 0 : i32
    %dma_wait3A_204 = tpu.memref_slice %arg6[%dma_wait3A_202, %dma_wait3A_203] : memref<80x1024xf32, #tpu.memory_space<vmem>> -> memref<16x1024xf32, #tpu.memory_space<vmem>>
    %dma_wait3A_205 = arith.constant 0 : i32
    %dma_wait3A_206 = tpu.memref_slice %arg4[%add3A_111, %dma_wait3A_205] : memref<2560x1024xf32, #tpu.memory_space<hbm>> -> memref<16x1024xf32, #tpu.memory_space<hbm>>
    %dma_wait3A_207 = arith.constant 0 : i32
    %dma_wait3A_208 = tpu.memref_slice %arg4[%add3A_111, %dma_wait3A_207] : memref<2560x1024xf32, #tpu.memory_space<hbm>> -> memref<16x1024xf32, #tpu.memory_space<hbm>>
    %dma_wait3A_209 = arith.constant 0 : i32
    %dma_wait3A_210 = arith.constant 0 : i32
    %dma_wait3A_211 = tpu.memref_slice %arg6[%dma_wait3A_209, %dma_wait3A_210] : memref<80x1024xf32, #tpu.memory_space<vmem>> -> memref<16x1024xf32, #tpu.memory_space<vmem>>
    tpu.wait_dma2 semaphore(%arg12 : memref<!tpu.dma_semaphore, #tpu.memory_space<semaphore_mem>>) src(%dma_wait3A_211 : memref<16x1024xf32, #tpu.memory_space<vmem>>) dst(%dma_wait3A_208 : memref<16x1024xf32, #tpu.memory_space<hbm>>)
    %dma_wait3A_212 = arith.constant 16 : i32
    %dma_wait3A_213 = arith.constant 0 : i32
    %dma_wait3A_214 = tpu.memref_slice %arg6[%dma_wait3A_212, %dma_wait3A_213] : memref<80x1024xf32, #tpu.memory_space<vmem>> -> memref<16x1024xf32, #tpu.memory_space<vmem>>
    %dma_wait3A_215 = arith.constant 0 : i32
    %dma_wait3A_216 = tpu.memref_slice %arg4[%add3A_131, %dma_wait3A_215] : memref<2560x1024xf32, #tpu.memory_space<hbm>> -> memref<16x1024xf32, #tpu.memory_space<hbm>>
    %dma_wait3A_217 = arith.constant 0 : i32
    %dma_wait3A_218 = tpu.memref_slice %arg4[%add3A_131, %dma_wait3A_217] : memref<2560x1024xf32, #tpu.memory_space<hbm>> -> memref<16x1024xf32, #tpu.memory_space<hbm>>
    %dma_wait3A_219 = arith.constant 16 : i32
    %dma_wait3A_220 = arith.constant 0 : i32
    %dma_wait3A_221 = tpu.memref_slice %arg6[%dma_wait3A_219, %dma_wait3A_220] : memref<80x1024xf32, #tpu.memory_space<vmem>> -> memref<16x1024xf32, #tpu.memory_space<vmem>>
    tpu.wait_dma2 semaphore(%arg12 : memref<!tpu.dma_semaphore, #tpu.memory_space<semaphore_mem>>) src(%dma_wait3A_221 : memref<16x1024xf32, #tpu.memory_space<vmem>>) dst(%dma_wait3A_218 : memref<16x1024xf32, #tpu.memory_space<hbm>>)
    %dma_wait3A_222 = arith.constant 32 : i32
    %dma_wait3A_223 = arith.constant 0 : i32
    %dma_wait3A_224 = tpu.memref_slice %arg6[%dma_wait3A_222, %dma_wait3A_223] : memref<80x1024xf32, #tpu.memory_space<vmem>> -> memref<16x1024xf32, #tpu.memory_space<vmem>>
    %dma_wait3A_225 = arith.constant 0 : i32
    %dma_wait3A_226 = tpu.memref_slice %arg4[%add3A_151, %dma_wait3A_225] : memref<2560x1024xf32, #tpu.memory_space<hbm>> -> memref<16x1024xf32, #tpu.memory_space<hbm>>
    %dma_wait3A_227 = arith.constant 0 : i32
    %dma_wait3A_228 = tpu.memref_slice %arg4[%add3A_151, %dma_wait3A_227] : memref<2560x1024xf32, #tpu.memory_space<hbm>> -> memref<16x1024xf32, #tpu.memory_space<hbm>>
    %dma_wait3A_229 = arith.constant 32 : i32
    %dma_wait3A_230 = arith.constant 0 : i32
    %dma_wait3A_231 = tpu.memref_slice %arg6[%dma_wait3A_229, %dma_wait3A_230] : memref<80x1024xf32, #tpu.memory_space<vmem>> -> memref<16x1024xf32, #tpu.memory_space<vmem>>
    tpu.wait_dma2 semaphore(%arg12 : memref<!tpu.dma_semaphore, #tpu.memory_space<semaphore_mem>>) src(%dma_wait3A_231 : memref<16x1024xf32, #tpu.memory_space<vmem>>) dst(%dma_wait3A_228 : memref<16x1024xf32, #tpu.memory_space<hbm>>)
    %dma_wait3A_232 = arith.constant 48 : i32
    %dma_wait3A_233 = arith.constant 0 : i32
    %dma_wait3A_234 = tpu.memref_slice %arg6[%dma_wait3A_232, %dma_wait3A_233] : memref<80x1024xf32, #tpu.memory_space<vmem>> -> memref<16x1024xf32, #tpu.memory_space<vmem>>
    %dma_wait3A_235 = arith.constant 0 : i32
    %dma_wait3A_236 = tpu.memref_slice %arg4[%add3A_171, %dma_wait3A_235] : memref<2560x1024xf32, #tpu.memory_space<hbm>> -> memref<16x1024xf32, #tpu.memory_space<hbm>>
    %dma_wait3A_237 = arith.constant 0 : i32
    %dma_wait3A_238 = tpu.memref_slice %arg4[%add3A_171, %dma_wait3A_237] : memref<2560x1024xf32, #tpu.memory_space<hbm>> -> memref<16x1024xf32, #tpu.memory_space<hbm>>
    %dma_wait3A_239 = arith.constant 48 : i32
    %dma_wait3A_240 = arith.constant 0 : i32
    %dma_wait3A_241 = tpu.memref_slice %arg6[%dma_wait3A_239, %dma_wait3A_240] : memref<80x1024xf32, #tpu.memory_space<vmem>> -> memref<16x1024xf32, #tpu.memory_space<vmem>>
    tpu.wait_dma2 semaphore(%arg12 : memref<!tpu.dma_semaphore, #tpu.memory_space<semaphore_mem>>) src(%dma_wait3A_241 : memref<16x1024xf32, #tpu.memory_space<vmem>>) dst(%dma_wait3A_238 : memref<16x1024xf32, #tpu.memory_space<hbm>>)
    %dma_wait3A_242 = arith.constant 64 : i32
    %dma_wait3A_243 = arith.constant 0 : i32
    %dma_wait3A_244 = tpu.memref_slice %arg6[%dma_wait3A_242, %dma_wait3A_243] : memref<80x1024xf32, #tpu.memory_space<vmem>> -> memref<16x1024xf32, #tpu.memory_space<vmem>>
    %dma_wait3A_245 = arith.constant 0 : i32
    %dma_wait3A_246 = tpu.memref_slice %arg4[%add3A_191, %dma_wait3A_245] : memref<2560x1024xf32, #tpu.memory_space<hbm>> -> memref<16x1024xf32, #tpu.memory_space<hbm>>
    %dma_wait3A_247 = arith.constant 0 : i32
    %dma_wait3A_248 = tpu.memref_slice %arg4[%add3A_191, %dma_wait3A_247] : memref<2560x1024xf32, #tpu.memory_space<hbm>> -> memref<16x1024xf32, #tpu.memory_space<hbm>>
    %dma_wait3A_249 = arith.constant 64 : i32
    %dma_wait3A_250 = arith.constant 0 : i32
    %dma_wait3A_251 = tpu.memref_slice %arg6[%dma_wait3A_249, %dma_wait3A_250] : memref<80x1024xf32, #tpu.memory_space<vmem>> -> memref<16x1024xf32, #tpu.memory_space<vmem>>
    tpu.wait_dma2 semaphore(%arg12 : memref<!tpu.dma_semaphore, #tpu.memory_space<semaphore_mem>>) src(%dma_wait3A_251 : memref<16x1024xf32, #tpu.memory_space<vmem>>) dst(%dma_wait3A_248 : memref<16x1024xf32, #tpu.memory_space<hbm>>)
    return
  }
}

</mosaic_0001>

<sc_bundles>
// kernel: kernel.3.cloned.1.call-start
scs
__scs_entry_jumppad:
0x0: {  	(pc) =	sbr.rel $0x88, $3  }
0x1: {  	(tag) =	ssettag $0x0;
	lr =	simm.s32 $0x1  }
0x2: {  	[smem:$0x3F9F] =	sst lr;
	_ =	strace $0xD0000000  }
0x3: {  	_ = 	snop  }
0x4: {  	_ = 	snop  }
0x5: {  	_ = 	snop  }
0x6: {  	_ = 	snop  }
0x7: {  	_ = 	snop  }
__scs_overlays_trampoline_lowered:
0x8: {  	[smem:$0x3FAE] =	sst s0  }
0x9: {  	[smem:$0x3FAF] =	sst s1  }
0xa: {  	[smem:$0x3FB0] =	sst s2  }
0xb: {  	[smem:$0x3FB1] =	sst s3  }
0xc: {  	[smem:$0x3FB2] =	sst s4  }
0xd: {  	[smem:$0x3FB3] =	sst s5  }
0xe: {  	[smem:$0x3FB4] =	sst s6  }
0xf: {  	[smem:$0x3FB5] =	sst s7  }
0x10: {  	[smem:$0x3FB6] =	sst s8  }
0x11: {  	[smem:$0x3FB7] =	sst s9;
	s0 =	simm.s32 @!p0 $0x0  }
0x12: {  	s1 =	sld [smem:$0x3F9D];
	s0 =	simm.s32 @p0 $0x1  }
0x13: {  	[smem:$0x3FB8] =	sst s0;
	s0 =	simm.s32 @!p1 $0x0  }
0x14: {  	s2 =	sld [smem:$0x3F9C];
	s0 =	simm.s32 @p1 $0x1  }
0x15: {  	[smem:$0x3FB9] =	sst s0;
	s0 =	simm.s32 @!p2 $0x0  }
0x16: {  	s3 =	sld [smem:$0x3FDB];
	s0 =	simm.s32 @p2 $0x1  }
0x17: {  	s4 =	simm.s32 $0x1BF5;
	[smem:$0x3FBB] =	sst s0  }
0x18: {  	s0 =	sld [smem:$0x3F9E];
	_ =	swait.ge [sflag:s4], $0x0  }
0x19: {  	s7 =	sld [smem:$0x3F9F]  }
0x1a: {  	s8 =	sadd.s32 $0xFFFFE003, lr  }
0x1b: {  	s9 =	sadd.s32 $0xFFFFFEF7, lr;
	s5 =	simm.s32 $0xFFFFFFFF;
	p2 =	slt.u32 s8, $0xFFFFF086  }
0x1c: {  	p1 =	slt.u32 s9, $0xF7A;
	s5 =	simm.s32 @!p2 $0x0  }
0x1d: {  	s5 =	simm.s32 @p1 $0x1;
	p0 =	seq.s32 s7, s2  }
0x1e: {  	s7 =	smul.u32 @!p0 $0xF7A, s2;
	p2 =	seq.s32 @!p0 s5, $0x0  }
0x1f: {  	s9 =	smul.u32 $0xF7A, s1;
	s8 =	simm.s32 @!p0 $0x1BF5;
	p2 =	por !p2, p0  }
0x20: {  	[sflag:s8] =	ssyncset.s32 @!p0 $0xFFFFF086;
	s6 =	sadd.s32 @!p0 s3, s7;
	s7 =	simm.s32 @!p0 $0x108  }
0x21: {  	s3 =	sadd.s32 s3, s9;
	s6 =	sadd.s32 @!p0 $0x88, s6;
	s7 =	simm.s32 @p2 $0x1082  }
0x22: {  	[simem:s7], [sflag:s8] =	dma.local @!p0 [hbm:s6], $0xF7A  }
0x23: {  	s9 =	sor.u32 $0xD0000000, s2;
	s6 =	simm.s32 $0x108;
	_ =	swait.ge @!p0 [sflag:s8], $0x0  }
0x24: {  	s3 =	sadd.s32 $0x88, s3;
	s6 =	simm.s32 @!p1 $0x1082;
	[sflag:s4] =	ssyncset.s32 $0xFFFFF086  }
0x25: {  	[simem:s6], [sflag:s4] =	dma.local [hbm:s3], $0xF7A  }
0x26: {  	[smem:$0x3F9F] =	sst s1;
	(tag) =	ssettag s2;
	_ =	strace s9  }
0x27: {  	s1 =	sld [smem:$0x3FAF]  }
0x28: {  	s2 =	sld [smem:$0x3FB0]  }
0x29: {  	s4 =	sld [smem:$0x3FB2]  }
0x2a: {  	p0 =	seq.s32 s5, $0x0;
	s5 =	sld [smem:$0x3FB3]  }
0x2b: {  	s6 =	sld [smem:$0x3FB4]  }
0x2c: {  	s7 =	sld [smem:$0x3FB5]  }
0x2d: {  	s3 =	simm.s32 $0x108;
	s8 =	sld [smem:$0x3FB6]  }
0x2e: {  	s3 =	simm.s32 @!p0 $0x1082;
	s9 =	sld [smem:$0x3FB7]  }
0x2f: {  	lr =	sadd.s32 s0, s3;
	s0 =	sld [smem:$0x3FAE]  }
0x30: {  	s3 =	sld [smem:$0x3FB1]  }
0x31: {  	[smem:$0x3FBA] =	sst s10  }
0x32: {  	s10 =	sld [smem:$0x3FB8];
	_ =	sdelay $0x3  }
0x33: {  	p0 =	seq.s32 s10, $0x1;
	s10 =	sld [smem:$0x3FBA];
	_ =	sdelay $0x3  }
0x34: {  	[smem:$0x3FBA] =	sst s10  }
0x35: {  	s10 =	sld [smem:$0x3FB9];
	_ =	sdelay $0x3  }
0x36: {  	p1 =	seq.s32 s10, $0x1;
	s10 =	sld [smem:$0x3FBA];
	_ =	sdelay $0x3  }
0x37: {  	[smem:$0x3FBA] =	sst s10  }
0x38: {  	s10 =	sld [smem:$0x3FBB]  }
0x39: {  	_ = 	snop;
	(pc) =	sbr.ind lr, $3  }
0x3a: {  	_ = 	snop  }
0x3b: {  	_ = 	snop  }
0x3c: {  	p2 =	seq.s32 s10, $0x1;
	s10 =	sld [smem:$0x3FBA]  }
0x3d: {  	_ =	shalt  }
0x3e: {  	_ =	shalt  }
0x3f: {  	_ =	shalt  }
0x40: {  	_ =	shalt  }
0x41: {  	_ =	shalt  }
0x42: {  	_ =	shalt  }
0x43: {  	_ =	shalt  }
0x44: {  	_ =	shalt  }
0x45: {  	_ =	shalt  }
0x46: {  	_ =	shalt  }
0x47: {  	_ =	shalt  }
0x48: {  	_ =	shalt  }
0x49: {  	_ =	shalt  }
0x4a: {  	_ =	shalt  }
0x4b: {  	_ =	shalt  }
0x4c: {  	_ =	shalt  }
0x4d: {  	_ =	shalt  }
0x4e: {  	_ =	shalt  }
0x4f: {  	_ =	shalt  }
0x50: {  	_ =	shalt  }
0x51: {  	_ =	shalt  }
0x52: {  	_ =	shalt  }
0x53: {  	_ =	shalt  }
0x54: {  	_ =	shalt  }
0x55: {  	_ =	shalt  }
0x56: {  	_ =	shalt  }
0x57: {  	_ =	shalt  }
0x58: {  	_ =	shalt  }
0x59: {  	_ =	shalt  }
0x5a: {  	_ =	shalt  }
0x5b: {  	_ =	shalt  }
0x5c: {  	_ =	shalt  }
0x5d: {  	_ =	shalt  }
0x5e: {  	_ =	shalt  }
0x5f: {  	_ =	shalt  }
0x60: {  	_ =	shalt  }
0x61: {  	_ =	shalt  }
0x62: {  	_ =	shalt  }
0x63: {  	_ =	shalt  }
0x64: {  	_ =	shalt  }
0x65: {  	_ =	shalt  }
0x66: {  	_ =	shalt  }
0x67: {  	_ =	shalt  }
0x68: {  	_ =	shalt  }
0x69: {  	_ =	shalt  }
0x6a: {  	_ =	shalt  }
0x6b: {  	_ =	shalt  }
0x6c: {  	_ =	shalt  }
0x6d: {  	_ =	shalt  }
0x6e: {  	_ =	shalt  }
0x6f: {  	_ =	shalt  }
0x70: {  	_ =	shalt  }
0x71: {  	_ =	shalt  }
0x72: {  	_ =	shalt  }
0x73: {  	_ =	shalt  }
0x74: {  	_ =	shalt  }
0x75: {  	_ =	shalt  }
0x76: {  	_ =	shalt  }
0x77: {  	_ =	shalt  }
0x78: {  	_ =	shalt  }
0x79: {  	_ =	shalt  }
0x7a: {  	_ =	shalt  }
0x7b: {  	_ =	shalt  }
0x7c: {  	_ =	shalt  }
0x7d: {  	_ =	shalt  }
0x7e: {  	_ =	shalt  }
0x7f: {  	_ =	shalt  }
0x80: {  	_ =	shalt  }
0x81: {  	_ =	shalt  }
0x82: {  	_ =	shalt  }
0x83: {  	_ =	shalt  }
0x84: {  	_ =	shalt  }
0x85: {  	_ =	shalt  }
0x86: {  	_ =	shalt  }
0x87: {  	_ =	shalt  }
.Lfunc_end0:
.L_simem_size_0:
called_computation_lowered:
.L_overlay_start_0:
0x88: {  	s2 =	sld [smem:$0x3FD9]  }
0x89: {  	s3 =	sld [smem:$0x3FFE];
	_ =	sdelay $0x1  }
0x8a: {  	s1 =	srdreg.scid  }
0x8b: {  	s0 =	sand.u32 $0x1, s1  }
0x8c: {  	s17 =	sshll.u32 s0, $0xA;
	s2 =	sadd.s32 s3, s2  }
0x8d: {  	s2 =	sadd.s32 s2, s17  }
0x8e: {  	[smem:$0x3FC6] =	sst s2  }
0x8f: {  	_ = 	snop  }
0x90: {  	s2 =	sld [smem:$0x3FC9]  }
0x91: {  	s18 =	sld [smem:$0x3FD0];
	(tm) =	ssettm $0x1  }
0x92: {  	s4 =	sld [smem:$0x3FFB];
	_ =	sdelay $0x3  }
0x93: {  	_ =	strace s4  }
0x94: {  	s4 =	sld [smem:$0x3FFC];
	_ =	sdelay $0x3  }
0x95: {  	_ =	strace s4  }
0x96: {  	s4 =	sld [smem:$0x3FFD];
	_ =	sdelay $0x3  }
0x97: {  	_ =	strace s4  }
0x98: {  	_ =	strace $0x8FFFFFFF  }
0x99: {  	s19 =	sld [smem:$0x3FDB];
	_ =	sdelay $0x1  }
0x9a: {  	s5 =	simm.s32 $_scs_section_size  }
0x9b: {  	s6 =	simm.s32 $_size__tile_overlayer_lowered;
	s7 =	simm.s32 $_tile_overlayer_lowered  }
0x9c: {  	s22 =	simm.s32 $0x1BFF;
	s21 =	sshll.u32 s7, $0x1;
	s4 =	sadd.s32 s5, s19  }
0x9d: {  	s8 =	simm.s32 $0x0;
	s20 =	sshll.u32 s6, $0x1;
	s6 =	sadd.s32 s21, s4  }
0x9e: {  	[timem:s8], [sflag:s22] =	dma.local [hbm:s6], s20  }
0x9f: {  	_ =	swait.ge [sflag:s22], s20  }
0xa0: {  	s5 =	ssub.s32 $0x0, s20;
	[sflag:s22] =	ssyncset.done $0x0  }
0xa1: {  	[sflag:s22] =	ssyncadd.s32 s5;
	_ =	sdelay $0x1  }
0xa2: {  	s23 =	simm.s32 $0x1B8B  }
0xa3: {  	_ =	swait.ge [sflag:s23], $0x1  }
0xa4: {  	[sflag:s23] =	ssyncset.done $0x0  }
0xa5: {  	s25 =	simm.s32 $0x1B8E;
	s24 =	sld [smem:$0x3FFE];
	[sflag:s23] =	ssyncadd.s32 $0xFFFFFFFF  }
0xa6: {  	s26 =	simm.s32 $execute0_lowered;
	[smem:$0x3FD2] =	sst s25  }
0xa7: {  	s6 =	sshll.u32 s26, $0x1;
	_ =	strace $0x80000046;
	[dreg:$0x1] =	wrdreg $0xFFFFFFFF  }
0xa8: {  	s28 =	simm.s32 $_size_execute0_lowered;
	s4 =	sadd.s32 s4, s6;
	[dreg:$0x0] =	wrdreg $0x0  }
0xa9: {  	s6 =	sshll.u32 s28, $0x1;
	[dreg:$0x2] =	wrdreg s4  }
0xaa: {  	[dreg:$0x3] =	wrdreg s6  }
0xab: {  	[dreg:$0x4] =	wrdreg $0xC0  }
0xac: {  	_ =	task [dreg:s8], $0x5FFFF  }
0xad: {  	[dreg:$0x1] =	wrdreg $0xFFFFFFFF  }
0xae: {  	[dreg:$0x0] =	wrdreg $0x60  }
0xaf: {  	[dreg:$0x2] =	wrdreg s2  }
0xb0: {  	[dreg:$0x3] =	wrdreg s24  }
0xb1: {  	[dreg:$0x4] =	wrdreg s18  }
0xb2: {  	[dreg:$0x5] =	wrdreg $0x9  }
0xb3: {  	_ =	task.clear_ibuf [dreg:s8], $0x6FFFF;
	_ =	strace $0x90000046  }
0xb4: {  	s29 =	simm.s32 $0x9;
	_ =	strace $0x80000048  }
0xb5: {  	_ =	swait.ge [sflag:s29], $0x1  }
0xb6: {  	[sflag:s29] =	ssyncadd.s32 $0xFFFFFFFF  }
0xb7: {  	_ =	strace $0x90000048  }
0xb8: {  	_ =	sfence  }
0xb9: {  	s30 =	sld [smem:$0x0];
	_ =	sdelay $0x2  }
0xba: {  	s31 =	sshll.u32 s1, $0xD;
	s1 =	sshrl.u32 s1, $0x2  }
0xbb: {  	s3 =	sand.u32 $0x4000, s31;
	s1 =	sadd.s32 s1, s30  }
0xbc: {  	s0 =	sor.u32 s3, s0;
	s1 =	sshll.u32 s1, $0x11  }
0xbd: {  	s0 =	sor.u32 s1, s0  }
0xbe: {  	s0 =	sadd.s32 $0x8F2B, s0  }
0xbf: {  	[sflag:s0] =	ssyncadd.remote.s32 $0x1  }
0xc0: {  	_ =	sfence.sel $0xFFFF  }
0xc1: {  	[dreg:$0x0] =	wrdreg $0xFFFFFFFF;
	(pc) =	sbr.abs _section_cstart, $3  }
0xc2: {  	[dreg:$0x1] =	wrdreg $0xFFFFFFFF  }
0xc3: {  	_ =	task.clear_ibuf [dreg:s8], $0x2FFFF;
	_ =	strace $0x9FFFFFFF  }
0xc4: {  	(tm) =	ssettm $0x7FFFFFFF  }
0xc5: {  	_ =	shalt  }
tec
execute0_lowered:
.L_overlay_start_1:
0x0: {  	(tag) =	ssettag $0x1  }
0x1: {  	s1 =	rddreg [dreg:$0x0]  }
0x2: {  	s2 =	srdreg.scid;
	s4 =	rddreg [dreg:$0x1]  }
0x3: {  	s0 =	stileid.u32;
	s6 =	rddreg [dreg:$0x2]  }
0x4: {  	s23 =	simm.s32 $0x880;
	s2 =	sand.u32 $0x1, s2;
	s3 =	sshll.u32 s0, $0x1  }
0x5: {  	s24 =	simm.s32 $0x1080;
	s5 =	sor.u32 s2, s3;
	s3 =	simm.s32 $0x0  }
0x6: {  	s25 =	simm.s32 $0x1880;
	s26 =	simm.s32 $0x2080;
	[smem:$0x7FF] =	sst s3  }
0x7: {  	s9 =	simm.s32 $0x5080;
	_ =	strace $0x80000047;
	[dreg:$0xa] =	wrdreg s23  }
0x8: {  	s10 =	simm.s32 $0x5880;
	s11 =	simm.s32 $0x6080;
	[dreg:$0xb] =	wrdreg s24  }
0x9: {  	s13 =	simm.s32 $0x6880;
	s14 =	simm.s32 $0x7080;
	[dreg:$0xc] =	wrdreg s25  }
0xa: {  	s28 =	simm.s32 $0x2;
	s29 =	simm.s32 $0x3;
	[dreg:$0xd] =	wrdreg s26  }
0xb: {  	s30 =	simm.s32 $0x4;
	s31 =	simm.s32 $0x5;
	[dreg:$0x12] =	wrdreg s9  }
0xc: {  	s15 =	sshll.u32 s0, $0xA;
	s7 =	smul.u32 $0xA, s5;
	[dreg:$0x13] =	wrdreg s10  }
0xd: {  	s2 =	ssub.s32 $0x2, s2;
	s8 =	smul.u32 $0x14000, s5;
	[dreg:$0x14] =	wrdreg s11  }
0xe: {  	s5 =	smul.u32 $0x2800, s5;
	s12 =	sshrl.u32 s2, $0x1;
	[dreg:$0x15] =	wrdreg s13  }
0xf: {  	s2 =	ssub.s32 s2, s12;
	[dreg:$0x16] =	wrdreg s14;
	s26 =	sand.u32 $0x3000, s15  }
0x10: {  	s9 =	simm.s32 $0x80;
	s23 =	simm.s32 $0xB880;
	s10 =	simm.s32 $0x4080  }
0x11: {  	s24 =	simm.s32 $0xC880;
	s11 =	simm.s32 $0x8080;
	[dreg:$0x1e] =	wrdreg s23  }
0x12: {  	s25 =	simm.s32 $0xD080;
	s12 =	simm.s32 $0xC080;
	[dreg:$0x1f] =	wrdreg s24  }
0x13: {  	s14 =	simm.s32 $0xE080;
	s17 =	sadd.s32 s6, s5;
	[smem:$0x7FD] =	sst s25  }
0x14: {  	s15 =	simm.s32 $0xE880;
	s5 =	simm.s32 $0x2880;
	[dreg:$0x5] =	wrdreg s17  }
0x15: {  	s4 =	sadd.s32 s7, s4;
	s7 =	simm.s32 $0x3880;
	[dreg:$0xe] =	wrdreg s5  }
0x16: {  	s16 =	sshrl.u32 s8, $0x3;
	s8 =	simm.s32 $0x4880;
	[dreg:$0x10] =	wrdreg s7  }
0x17: {  	s23 =	simm.s32 $0x12880;
	s4 =	sadd.s32 $0x400, s4;
	[dreg:$0x11] =	wrdreg s8  }
0x18: {  	s18 =	sadd.s32 s6, s16;
	s6 =	simm.s32 $0x3080;
	[dreg:$0x4] =	wrdreg s4  }
0x19: {  	s24 =	simm.s32 $0x13080;
	s16 =	simm.s32 $0x7880;
	[dreg:$0xf] =	wrdreg s6  }
0x1a: {  	s25 =	simm.s32 $0x13880;
	s17 =	simm.s32 $0x8880;
	[dreg:$0x17] =	wrdreg s16  }
0x1b: {  	v0 =	vmov s26;
	s26 =	simm.s32 $0x1;
	s19 =	sadd.s32 $0x800, s18;
	[dreg:$0x18] =	wrdreg s17  }
0x1c: {  	s5 =	sadd.s32 $0x200, s1;
	s20 =	sadd.s32 $0x1000, s18;
	[dreg:$0x6] =	wrdreg s19  }
0x1d: {  	s7 =	smax.u32 s2, $0x1;
	s21 =	sadd.s32 $0x1800, s18;
	[dreg:$0x7] =	wrdreg s20  }
0x1e: {  	s8 =	simm.s32 $0x7;
	s22 =	sadd.s32 $0x2000, s18;
	[dreg:$0x8] =	wrdreg s21  }
0x1f: {  	s2 =	simm.s32 $0x6;
	s18 =	simm.s32 $0x9080;
	[dreg:$0x9] =	wrdreg s22  }
0x20: {  	s4 =	sadd.s32 $0x100, s1;
	[dreg:$0x19] =	wrdreg s18;
	s19 =	simm.s32 $0x9880  }
0x21: {  	s6 =	sadd.s32 $0x300, s1;
	s20 =	simm.s32 $0xA080;
	[dreg:$0x1a] =	wrdreg s19  }
0x22: {  	s16 =	simm.s32 $0xF080;
	s21 =	simm.s32 $0xA880;
	[dreg:$0x1b] =	wrdreg s20  }
0x23: {  	v3 =	vlaneseq.u32;
	s17 =	simm.s32 $0xF880;
	s22 =	simm.s32 $0xB080;
	[dreg:$0x1c] =	wrdreg s21  }
0x24: {  	vm0 =	vmmov $0xffff;
	v2 =	vshrl.u32 v3, $0x3;
	s18 =	simm.s32 $0x10080;
	[dreg:$0x1d] =	wrdreg s22;
	s19 =	simm.s32 $0x10880  }
0x25: {  	v1 =	vand.u32 $0x7, v3;
	v3 =	vor.u32 $0x8, v3;
	v2 =	vmul.u32 $0x8, v2;
	s20 =	simm.s32 $0x11080;
	s21 =	simm.s32 $0x11880;
	s22 =	simm.s32 $0x12080  }
.LBB2_1:
0x26: {  	s0 =	rddreg [dreg:$0x4]  }
0x27: {  	[tilespmem:s3], [sflag:$0x7] =	stream.linear.gather [hbm4b:s0+s3], $0x50, $0x38;
	[tilespmem:$0x14080] =	vst v63  }
0x28: {  	_ =	swait.ge [sflag:s8], $0x50  }
0x29: {  	[sflag:s8] =	ssyncset.done $0x0  }
0x2a: {  	[sflag:s8] =	ssyncadd.s32 $0xFFFFFFB0  }
0x2b: {  	v4 =	vld [tilespmem:$0x0];
	_ =	sdelay $0x4  }
0x2c: {  	v5 =	vadd.s32 v0, v4  }
0x2d: {  	v6 =	vld [tilespmem:$0x10];
	v7 =	vshll.u32 v5, $0x3  }
0x2e: {  	v8 =	vld [tilespmem:$0x20];
	v4 =	vand.u32 $0x7, v4;
	v7 =	vand.u32 $0xFFFFFFC0, v7  }
0x2f: {  	v9 =	vld [tilespmem:$0x30];
	v4 =	vor.u32 v4, v7  }
0x30: {  	v62 =	vld [tilespmem:$0x40];
	v10 =	vperm.xlane v4, v1;
	_ =	sdelay $0x1  }
0x31: {  	[tilespmem:$0x0] =	vst v5;
	v5 =	vadd.s32 v0, v6;
	v63 =	vadd.s32 v2, v10  }
0x32: {  	[tilespmem:$0x10] =	vst v5;
	v5 =	vadd.s32 v0, v8  }
0x33: {  	[tilespmem:$0x20] =	vst v5;
	v5 =	vadd.s32 v0, v9  }
0x34: {  	[tilespmem:$0x30] =	vst v5;
	v5 =	vadd.s32 v0, v62  }
0x35: {  	[tilespmem:$0x40] =	vst v5  }
0x36: {  	[tilespmem:s9], [sflag:$0x1] =	stream.indirect_vreg.gather [hbm4b:s1+s3], $0x80, v63, vm0, $0xb8;
	[tilespmem:$0x14080] =	vst v63  }
0x37: {  	s0 =	rddreg [dreg:$0xa];
	v4 =	vperm.xlane v4, v3  }
0x38: {  	[tilespmem:s0], [sflag:$0x1] =	stream.indirect_vreg.gather [hbm4b:s4+s3], $0x80, v63, vm0, $0xb8;
	[tilespmem:$0x14080] =	vst v63  }
0x39: {  	s13 =	rddreg [dreg:$0xb];
	v4 =	vadd.s32 v2, v4  }
0x3a: {  	[tilespmem:s13], [sflag:$0x1] =	stream.indirect_vreg.gather [hbm4b:s5+s3], $0x80, v63, vm0, $0xb8;
	[tilespmem:$0x14080] =	vst v63  }
0x3b: {  	s0 =	rddreg [dreg:$0xc]  }
0x3c: {  	[tilespmem:s0], [sflag:$0x1] =	stream.indirect_vreg.gather [hbm4b:s6+s3], $0x80, v63, vm0, $0xb8;
	[tilespmem:$0x14080] =	vst v63  }
0x3d: {  	s13 =	rddreg [dreg:$0xd]  }
0x3e: {  	[tilespmem:s13], [sflag:$0x1] =	stream.indirect_vreg.gather [hbm4b:s1+s3], $0x80, v4, vm0, $0xb8;
	[tilespmem:$0x14080] =	vst v63  }
0x3f: {  	s0 =	rddreg [dreg:$0xe]  }
0x40: {  	[tilespmem:s0], [sflag:$0x1] =	stream.indirect_vreg.gather [hbm4b:s4+s3], $0x80, v4, vm0, $0xb8;
	[tilespmem:$0x14080] =	vst v63  }
0x41: {  	s13 =	rddreg [dreg:$0xf]  }
0x42: {  	[tilespmem:s13], [sflag:$0x1] =	stream.indirect_vreg.gather [hbm4b:s5+s3], $0x80, v4, vm0, $0xb8;
	[tilespmem:$0x14080] =	vst v63  }
0x43: {  	s0 =	rddreg [dreg:$0x10]  }
0x44: {  	[tilespmem:s0], [sflag:$0x1] =	stream.indirect_vreg.gather [hbm4b:s6+s3], $0x80, v4, vm0, $0xb8;
	[tilespmem:$0x14080] =	vst v63  }
0x45: {  	v4 =	vld [tilespmem:$0x10];
	_ =	sdelay $0x4  }
0x46: {  	v5 =	vshll.u32 v4, $0x3  }
0x47: {  	v4 =	vand.u32 $0x7, v4;
	v5 =	vand.u32 $0xFFFFFFC0, v5  }
0x48: {  	v4 =	vor.u32 v4, v5  }
0x49: {  	v5 =	vperm.xlane v4, v1;
	_ =	sdelay $0x1  }
0x4a: {  	v5 =	vadd.s32 v2, v5;
	_ =	sdelay $0x4  }
0x4b: {  	[tilespmem:s10], [sflag:$0x2] =	stream.indirect_vreg.gather [hbm4b:s1+s3], $0x80, v5, vm0, $0xb8;
	[tilespmem:$0x14080] =	vst v63  }
0x4c: {  	s0 =	rddreg [dreg:$0x11];
	v4 =	vperm.xlane v4, v3  }
0x4d: {  	[tilespmem:s0], [sflag:$0x2] =	stream.indirect_vreg.gather [hbm4b:s4+s3], $0x80, v5, vm0, $0xb8;
	[tilespmem:$0x14080] =	vst v63  }
0x4e: {  	s13 =	rddreg [dreg:$0x12];
	v4 =	vadd.s32 v2, v4  }
0x4f: {  	[tilespmem:s13], [sflag:$0x2] =	stream.indirect_vreg.gather [hbm4b:s5+s3], $0x80, v5, vm0, $0xb8;
	[tilespmem:$0x14080] =	vst v63  }
0x50: {  	s0 =	rddreg [dreg:$0x13]  }
0x51: {  	[tilespmem:s0], [sflag:$0x2] =	stream.indirect_vreg.gather [hbm4b:s6+s3], $0x80, v5, vm0, $0xb8;
	[tilespmem:$0x14080] =	vst v63  }
0x52: {  	s13 =	rddreg [dreg:$0x14]  }
0x53: {  	[tilespmem:s13], [sflag:$0x2] =	stream.indirect_vreg.gather [hbm4b:s1+s3], $0x80, v4, vm0, $0xb8;
	[tilespmem:$0x14080] =	vst v63  }
0x54: {  	s0 =	rddreg [dreg:$0x15]  }
0x55: {  	[tilespmem:s0], [sflag:$0x2] =	stream.indirect_vreg.gather [hbm4b:s4+s3], $0x80, v4, vm0, $0xb8;
	[tilespmem:$0x14080] =	vst v63  }
0x56: {  	s13 =	rddreg [dreg:$0x16]  }
0x57: {  	[tilespmem:s13], [sflag:$0x2] =	stream.indirect_vreg.gather [hbm4b:s5+s3], $0x80, v4, vm0, $0xb8;
	[tilespmem:$0x14080] =	vst v63  }
0x58: {  	s0 =	rddreg [dreg:$0x17]  }
0x59: {  	[tilespmem:s0], [sflag:$0x2] =	stream.indirect_vreg.gather [hbm4b:s6+s3], $0x80, v4, vm0, $0xb8;
	[tilespmem:$0x14080] =	vst v63  }
0x5a: {  	v4 =	vld [tilespmem:$0x20];
	_ =	sdelay $0x4  }
0x5b: {  	v5 =	vshll.u32 v4, $0x3  }
0x5c: {  	v4 =	vand.u32 $0x7, v4;
	v5 =	vand.u32 $0xFFFFFFC0, v5  }
0x5d: {  	v4 =	vor.u32 v4, v5  }
0x5e: {  	v5 =	vperm.xlane v4, v1;
	_ =	sdelay $0x1  }
0x5f: {  	v5 =	vadd.s32 v2, v5;
	_ =	sdelay $0x4  }
0x60: {  	[tilespmem:s11], [sflag:$0x3] =	stream.indirect_vreg.gather [hbm4b:s1+s3], $0x80, v5, vm0, $0xb8;
	[tilespmem:$0x14080] =	vst v63  }
0x61: {  	s0 =	rddreg [dreg:$0x18];
	v4 =	vperm.xlane v4, v3  }
0x62: {  	[tilespmem:s0], [sflag:$0x3] =	stream.indirect_vreg.gather [hbm4b:s4+s3], $0x80, v5, vm0, $0xb8;
	[tilespmem:$0x14080] =	vst v63  }
0x63: {  	s13 =	rddreg [dreg:$0x19];
	v4 =	vadd.s32 v2, v4  }
0x64: {  	[tilespmem:s13], [sflag:$0x3] =	stream.indirect_vreg.gather [hbm4b:s5+s3], $0x80, v5, vm0, $0xb8;
	[tilespmem:$0x14080] =	vst v63  }
0x65: {  	s0 =	rddreg [dreg:$0x1a]  }
0x66: {  	[tilespmem:s0], [sflag:$0x3] =	stream.indirect_vreg.gather [hbm4b:s6+s3], $0x80, v5, vm0, $0xb8;
	[tilespmem:$0x14080] =	vst v63  }
0x67: {  	s13 =	rddreg [dreg:$0x1b]  }
0x68: {  	[tilespmem:s13], [sflag:$0x3] =	stream.indirect_vreg.gather [hbm4b:s1+s3], $0x80, v4, vm0, $0xb8;
	[tilespmem:$0x14080] =	vst v63  }
0x69: {  	s0 =	rddreg [dreg:$0x1c]  }
0x6a: {  	[tilespmem:s0], [sflag:$0x3] =	stream.indirect_vreg.gather [hbm4b:s4+s3], $0x80, v4, vm0, $0xb8;
	[tilespmem:$0x14080] =	vst v63  }
0x6b: {  	s13 =	rddreg [dreg:$0x1d]  }
0x6c: {  	[tilespmem:s13], [sflag:$0x3] =	stream.indirect_vreg.gather [hbm4b:s5+s3], $0x80, v4, vm0, $0xb8;
	[tilespmem:$0x14080] =	vst v63  }
0x6d: {  	s0 =	rddreg [dreg:$0x1e]  }
0x6e: {  	[tilespmem:s0], [sflag:$0x3] =	stream.indirect_vreg.gather [hbm4b:s6+s3], $0x80, v4, vm0, $0xb8;
	[tilespmem:$0x14080] =	vst v63  }
0x6f: {  	v4 =	vld [tilespmem:$0x30];
	_ =	sdelay $0x4  }
0x70: {  	v5 =	vshll.u32 v4, $0x3  }
0x71: {  	v4 =	vand.u32 $0x7, v4;
	v5 =	vand.u32 $0xFFFFFFC0, v5  }
0x72: {  	v4 =	vor.u32 v4, v5  }
0x73: {  	v5 =	vperm.xlane v4, v1;
	_ =	sdelay $0x1  }
0x74: {  	v5 =	vadd.s32 v2, v5;
	_ =	sdelay $0x3  }
0x75: {  	s13 =	sld [smem:$0x7FD]  }
0x76: {  	[tilespmem:s12], [sflag:$0x4] =	stream.indirect_vreg.gather [hbm4b:s1+s3], $0x80, v5, vm0, $0xb8;
	[tilespmem:$0x14080] =	vst v63  }
0x77: {  	s0 =	rddreg [dreg:$0x1f];
	v4 =	vperm.xlane v4, v3  }
0x78: {  	[tilespmem:s0], [sflag:$0x4] =	stream.indirect_vreg.gather [hbm4b:s4+s3], $0x80, v5, vm0, $0xb8;
	[tilespmem:$0x14080] =	vst v63  }
0x79: {  	v4 =	vadd.s32 v2, v4  }
0x7a: {  	[tilespmem:s13], [sflag:$0x4] =	stream.indirect_vreg.gather [hbm4b:s5+s3], $0x80, v5, vm0, $0xb8;
	[tilespmem:$0x14080] =	vst v63  }
0x7b: {  	s13 =	simm.s32 $0xD880  }
0x7c: {  	[tilespmem:s13], [sflag:$0x4] =	stream.indirect_vreg.gather [hbm4b:s6+s3], $0x80, v5, vm0, $0xb8;
	[tilespmem:$0x14080] =	vst v63  }
0x7d: {  	_ = 	snop  }
0x7e: {  	[tilespmem:s14], [sflag:$0x4] =	stream.indirect_vreg.gather [hbm4b:s1+s3], $0x80, v4, vm0, $0xb8;
	[tilespmem:$0x14080] =	vst v63  }
0x7f: {  	_ = 	snop  }
0x80: {  	[tilespmem:s15], [sflag:$0x4] =	stream.indirect_vreg.gather [hbm4b:s4+s3], $0x80, v4, vm0, $0xb8;
	[tilespmem:$0x14080] =	vst v63  }
0x81: {  	_ = 	snop  }
0x82: {  	[tilespmem:s16], [sflag:$0x4] =	stream.indirect_vreg.gather [hbm4b:s5+s3], $0x80, v4, vm0, $0xb8;
	[tilespmem:$0x14080] =	vst v63  }
0x83: {  	_ = 	snop  }
0x84: {  	[tilespmem:s17], [sflag:$0x4] =	stream.indirect_vreg.gather [hbm4b:s6+s3], $0x80, v4, vm0, $0xb8;
	[tilespmem:$0x14080] =	vst v63  }
0x85: {  	v4 =	vld [tilespmem:$0x40];
	_ =	sdelay $0x4  }
0x86: {  	v5 =	vshll.u32 v4, $0x3  }
0x87: {  	v4 =	vand.u32 $0x7, v4;
	v5 =	vand.u32 $0xFFFFFFC0, v5  }
0x88: {  	v4 =	vor.u32 v4, v5  }
0x89: {  	v5 =	vperm.xlane v4, v1;
	_ =	sdelay $0x1  }
0x8a: {  	v5 =	vadd.s32 v2, v5;
	_ =	sdelay $0x4  }
0x8b: {  	[tilespmem:s18], [sflag:$0x5] =	stream.indirect_vreg.gather [hbm4b:s1+s3], $0x80, v5, vm0, $0xb8;
	[tilespmem:$0x14080] =	vst v63  }
0x8c: {  	v4 =	vperm.xlane v4, v3  }
0x8d: {  	[tilespmem:s19], [sflag:$0x5] =	stream.indirect_vreg.gather [hbm4b:s4+s3], $0x80, v5, vm0, $0xb8;
	[tilespmem:$0x14080] =	vst v63  }
0x8e: {  	v4 =	vadd.s32 v2, v4  }
0x8f: {  	[tilespmem:s20], [sflag:$0x5] =	stream.indirect_vreg.gather [hbm4b:s5+s3], $0x80, v5, vm0, $0xb8;
	[tilespmem:$0x14080] =	vst v63  }
0x90: {  	_ = 	snop  }
0x91: {  	[tilespmem:s21], [sflag:$0x5] =	stream.indirect_vreg.gather [hbm4b:s6+s3], $0x80, v5, vm0, $0xb8;
	[tilespmem:$0x14080] =	vst v63  }
0x92: {  	_ = 	snop  }
0x93: {  	[tilespmem:s22], [sflag:$0x5] =	stream.indirect_vreg.gather [hbm4b:s1+s3], $0x80, v4, vm0, $0xb8;
	[tilespmem:$0x14080] =	vst v63  }
0x94: {  	_ = 	snop  }
0x95: {  	[tilespmem:s23], [sflag:$0x5] =	stream.indirect_vreg.gather [hbm4b:s4+s3], $0x80, v4, vm0, $0xb8;
	[tilespmem:$0x14080] =	vst v63  }
0x96: {  	_ = 	snop  }
0x97: {  	[tilespmem:s24], [sflag:$0x5] =	stream.indirect_vreg.gather [hbm4b:s5+s3], $0x80, v4, vm0, $0xb8;
	[tilespmem:$0x14080] =	vst v63  }
0x98: {  	_ = 	snop  }
0x99: {  	[tilespmem:s25], [sflag:$0x5] =	stream.indirect_vreg.gather [hbm4b:s6+s3], $0x80, v4, vm0, $0xb8;
	[tilespmem:$0x14080] =	vst v63  }
0x9a: {  	_ =	swait.ge [sflag:s26], $0x4000  }
0x9b: {  	[sflag:s26] =	ssyncset.done $0x0  }
0x9c: {  	s13 =	rddreg [dreg:$0x5];
	[sflag:s26] =	ssyncadd.s32 $0xFFFFC000  }
0x9d: {  	[hbm4b:s13+s3] =	stream.linear.scatter [tilespmem:s9], [sflag:$0x6], $0x4000, $0x38;
	[tilespmem:$0x14080] =	vst v63  }
0x9e: {  	_ =	swait.ge [sflag:s28], $0x4000  }
0x9f: {  	[sflag:s28] =	ssyncset.done $0x0  }
0xa0: {  	s13 =	rddreg [dreg:$0x6];
	[sflag:s28] =	ssyncadd.s32 $0xFFFFC000  }
0xa1: {  	[hbm4b:s13+s3] =	stream.linear.scatter [tilespmem:s10], [sflag:$0x6], $0x4000, $0x38;
	[tilespmem:$0x14080] =	vst v63  }
0xa2: {  	_ =	swait.ge [sflag:s29], $0x4000  }
0xa3: {  	[sflag:s29] =	ssyncset.done $0x0  }
0xa4: {  	s13 =	rddreg [dreg:$0x7];
	[sflag:s29] =	ssyncadd.s32 $0xFFFFC000  }
0xa5: {  	[hbm4b:s13+s3] =	stream.linear.scatter [tilespmem:s11], [sflag:$0x6], $0x4000, $0x38;
	[tilespmem:$0x14080] =	vst v63  }
0xa6: {  	_ =	swait.ge [sflag:s30], $0x4000  }
0xa7: {  	[sflag:s30] =	ssyncset.done $0x0  }
0xa8: {  	s13 =	rddreg [dreg:$0x8];
	[sflag:s30] =	ssyncadd.s32 $0xFFFFC000  }
0xa9: {  	[hbm4b:s13+s3] =	stream.linear.scatter [tilespmem:s12], [sflag:$0x6], $0x4000, $0x38;
	[tilespmem:$0x14080] =	vst v63  }
0xaa: {  	_ =	swait.ge [sflag:s31], $0x4000  }
0xab: {  	[sflag:s31] =	ssyncset.done $0x0  }
0xac: {  	s13 =	rddreg [dreg:$0x9];
	[sflag:s31] =	ssyncadd.s32 $0xFFFFC000  }
0xad: {  	[hbm4b:s13+s3] =	stream.linear.scatter [tilespmem:s18], [sflag:$0x6], $0x4000, $0x38;
	[tilespmem:$0x14080] =	vst v63  }
0xae: {  	_ =	swait.ge [sflag:s2], $0x4000  }
0xaf: {  	[sflag:s2] =	ssyncset.done $0x0  }
0xb0: {  	[sflag:s2] =	ssyncadd.s32 $0xFFFFC000  }
0xb1: {  	_ =	swait.ge [sflag:s2], $0x4000  }
0xb2: {  	[sflag:s2] =	ssyncset.done $0x0  }
0xb3: {  	[sflag:s2] =	ssyncadd.s32 $0xFFFFC000  }
0xb4: {  	_ =	swait.ge [sflag:s2], $0x4000  }
0xb5: {  	[sflag:s2] =	ssyncset.done $0x0  }
0xb6: {  	[sflag:s2] =	ssyncadd.s32 $0xFFFFC000  }
0xb7: {  	p0 =	sne.s32 s7, $0x1;
	_ =	swait.ge [sflag:s2], $0x4000  }
.Ltmp0:
0xb8: {  	[sflag:s2] =	ssyncset.done $0x0;
	(pc) =	sbr.rel @p0 .LBB2_1-.Ltmp0, $4  }
0xb9: {  	[sflag:s2] =	ssyncadd.s32 $0xFFFFC000  }
0xba: {  	_ =	swait.ge [sflag:s2], $0x4000  }
0xbb: {  	[sflag:s2] =	ssyncset.done $0x0  }
0xbc: {  	s7 =	sadd.s32 $0xFFFFFFFF, s7;
	[sflag:s2] =	ssyncadd.s32 $0xFFFFC000  }
0xbd: {  	_ =	sfence.sel $0x180000  }
0xbe: {  	[bflag:$0x0] =	sbarrier.arrive $0xFFFF  }
0xbf: {  	_ =	strace $0x90000047  }
0xc0: {  	s0 =	stileid.u32;
	[bflag:$0x2] =	sbarrier.arrive $0xFFFF  }
0xc1: {  	p0 =	sne.s32 s0, $0x0;
	s0 =	rddreg [dreg:$0x3]  }
0xc2: {  	s0 =	sadd.s32 @!p0 $0x100000, s0  }
0xc3: {  	[sflag:s0] =	ssyncadd.tile.s32 @!p0 $0x1;
	_ =	shalt  }
.Lfunc_end2:
_tile_overlayer_lowered:
.L_overlay_start_2:
0xc4: {  	(tag) =	ssettag $0x2  }
0xc5: {  	s0 =	rddreg [dreg:$0x0];
	s2 =	stileid.u32  }
0xc6: {  	s1 =	rddreg [dreg:$0x1];
	p0 =	sne.s32 s2, $0x0  }
0xc7: {  	s3 =	rddreg [dreg:$0x2];
	[bflag:$0x3] =	sbarrier.arrive $0xFFFF;
	s2 =	simm.s32 @!p0 $0x1C07  }
0xc8: {  	[timem:s3], [sflag:s2] =	dma.local @!p0 [hbm:s0], s1  }
0xc9: {  	s0 =	simm.s32 @!p0 $0x7  }
0xca: {  	_ =	swait.ge @!p0 [sflag:s0], s1  }
0xcb: {  	s1 =	ssub.s32 @!p0 $0x0, s1;
	[sflag:s0] =	ssyncset.done @!p0 $0x0  }
0xcc: {  	[sflag:s0] =	ssyncadd.s32 @!p0 s1  }
0xcd: {  	[bflag:$0x3] =	sbarrier.arrive $0xFFFF  }
0xce: {  	_ =	shalt  }

</sc_bundles>
